<compile_context>
chip_gen: v7x
topology: tpu7x:2x2x1
jax: 0.10.2.dev20260603
libtpu: 0.0.44.dev20260713+nightly
codegen_flags: <defaults>
</compile_context>

<pallas_src>
import functools

import jax
import jax.numpy as jnp
from jax import lax
from jax.experimental import pallas as pl
from jax.experimental.pallas import tpu as pltpu
from jax.experimental.pallas import tpu_sc as plsc

_N = 1 << 24
_OUT = _N >> 1
_B = 20
_NW = 32
_PER_W = _OUT // _NW
_W_PER_CHUNK = (1 << _B) // _PER_W

_mesh = plsc.VectorSubcoreMesh(core_axis_name="c", subcore_axis_name="s")


_BUF = 32768
_NBUF = 3
_STEPS = _PER_W // _BUF


@functools.partial(
    pl.kernel,
    mesh=_mesh,
    out_type=jax.ShapeDtypeStruct((_OUT,), jnp.float32),
    scratch_types=(
        [pltpu.VMEM((_BUF,), jnp.float32)] * _NBUF
        + [pltpu.SemaphoreType.DMA] * (2 * _NBUF)
    ),
)
def _restrict(psi_hbm, out_hbm, *scratch):
    bufs = scratch[:_NBUF]
    isems = scratch[_NBUF:2 * _NBUF]
    osems = scratch[2 * _NBUF:]
    wid = lax.axis_index("s") * 2 + lax.axis_index("c")
    out_base = wid * _PER_W
    in_base = (wid // _W_PER_CHUNK) * (1 << (_B + 1)) + (wid % _W_PER_CHUNK) * _PER_W

    def start_in(step, b):
        return pltpu.async_copy(
            psi_hbm.at[pl.ds(in_base + step * _BUF, _BUF)], bufs[b], isems[b])

    def start_out(step, b):
        return pltpu.async_copy(
            bufs[b], out_hbm.at[pl.ds(out_base + step * _BUF, _BUF)], osems[b])

    in_cp = [None] * _NBUF
    out_cp = [None] * _NBUF
    for j in range(min(_NBUF - 1, _STEPS)):
        in_cp[j] = start_in(j, j)
    for i in range(_STEPS):
        b = i % _NBUF
        nxt = i + _NBUF - 1
        if nxt < _STEPS:
            nb = nxt % _NBUF
            if out_cp[nb] is not None:
                out_cp[nb].wait()
            in_cp[nb] = start_in(nxt, nb)
        in_cp[b].wait()
        out_cp[b] = start_out(i, b)
    for b in range(_NBUF):
        if out_cp[b] is not None:
            out_cp[b].wait()


def kernel(psi):
    return _restrict(psi)

# --- scband reference (transcript-rebuilt; emitter-appended) ---
"""Pipeline reference for scband-restrict-measurement-outcome-60550448939714 (READ-ONLY COPY).

The authoritative reference and input builder live on the scoring server;
editing this copy changes nothing except your own understanding.
"""

import jax, jax.numpy as jnp
import numpy as np

P = 3  # qubit position (init kwarg)
N_QUBITS = 24
N = 2 ** N_QUBITS  # state vector length


def _zero_bit_indices(n_amps, n_qubits, p):
    # Indices i in [0, n_amps) whose bit at qubit position p (MSB-first
    # convention: bit weight 2**(n_qubits-1-p)) is 0. This reproduces
    # next(gate_implementation.split_by_bits(len(psi), (p,))).
    b = n_qubits - 1 - p  # bit index counted from LSB
    j = jnp.arange(n_amps // 2, dtype=jnp.int64)
    low_mask = (1 << b) - 1
    idx = ((j >> b) << (b + 1)) | (j & low_mask)
    return idx


def setup_inputs(seed: int = 0) -> dict:
    key = jax.random.key(seed)
    psi = jax.random.normal(key, (N,), dtype=jnp.float32)
    return {"psi": psi}


def reference(psi):
    n_amps = psi.shape[0]
    n_qubits = int(np.log2(n_amps))
    zero_idx = _zero_bit_indices(n_amps, n_qubits, P)
    # Restrict measurement outcome of qubit P to |0>: gather the half of the
    # state vector where that qubit's bit is 0.
    return jnp.take(psi, zero_idx, axis=0)

if __name__ == "__main__":
    import jax
    _d = setup_inputs()
    print(jax.jit(kernel)(*tuple(_d.values())))

</pallas_src>

<mosaic_0001>
#map = affine_map<(d0, d1) -> (0)>
module attributes {stable_mosaic.version = 14 : i64} {
  func.func @_restrict(%arg0: i32, %arg1: i32, %arg2: memref<16777216xf32, #tpu.memory_space<hbm>>, %arg3: memref<8388608xf32, #tpu.memory_space<hbm>>, %arg4: memref<32768xf32, #tpu.memory_space<vmem>>, %arg5: memref<32768xf32, #tpu.memory_space<vmem>>, %arg6: memref<32768xf32, #tpu.memory_space<vmem>>, %arg7: memref<!tpu.dma_semaphore, #tpu.memory_space<semaphore_mem>>, %arg8: memref<!tpu.dma_semaphore, #tpu.memory_space<semaphore_mem>>, %arg9: memref<!tpu.dma_semaphore, #tpu.memory_space<semaphore_mem>>, %arg10: memref<!tpu.dma_semaphore, #tpu.memory_space<semaphore_mem>>, %arg11: memref<!tpu.dma_semaphore, #tpu.memory_space<semaphore_mem>>, %arg12: memref<!tpu.dma_semaphore, #tpu.memory_space<semaphore_mem>>) attributes {dimension_semantics = [#tpu.dimension_semantics<core_parallel>, #tpu.dimension_semantics<subcore_parallel>], iteration_bounds = array<i64: 2, 16>, scalar_prefetch = 0 : i64, scratch_operands = 9 : i64, tpu.core_type = #tpu.core_type<sc_vector_subcore>, window_params = [{transform_indices = #map}, {transform_indices = #map}]} {
    %mul3A = arith.constant 2 : i32
    %mul3A_0 = arith.muli %arg1, %mul3A : i32
    %add3A = arith.addi %mul3A_0, %arg0 : i32
    %mul3A_1 = arith.constant 262144 : i32
    %mul3A_2 = arith.muli %add3A, %mul3A_1 : i32
    %jit3A = arith.constant 4 : i32
    %div3A = arith.divsi %add3A, %jit3A : i32
    %sign3A = arith.constant 0 : i32
    %sign3A_3 = arith.cmpi sgt, %add3A, %sign3A : i32
    %sign3A_4 = arith.extui %sign3A_3 : i1 to i32
    %sign3A_5 = arith.constant 0 : i32
    %sign3A_6 = arith.cmpi slt, %add3A, %sign3A_5 : i32
    %sign3A_7 = arith.extui %sign3A_6 : i1 to i32
    %sign3A_8 = arith.subi %sign3A_4, %sign3A_7 : i32
    %sign3A_9 = arith.constant 0 : i32
    %sign3A_10 = arith.cmpi sgt, %jit3A, %sign3A_9 : i32
    %sign3A_11 = arith.extui %sign3A_10 : i1 to i32
    %sign3A_12 = arith.constant 0 : i32
    %sign3A_13 = arith.cmpi slt, %jit3A, %sign3A_12 : i32
    %sign3A_14 = arith.extui %sign3A_13 : i1 to i32
    %sign3A_15 = arith.subi %sign3A_11, %sign3A_14 : i32
    %ne3A = arith.cmpi ne, %sign3A_8, %sign3A_15 : i32
    %rem3A = arith.remsi %add3A, %jit3A : i32
    %ne3A_16 = arith.constant 0 : i32
    %ne3A_17 = arith.cmpi ne, %rem3A, %ne3A_16 : i32
    %and3A = arith.andi %ne3A, %ne3A_17 : i1
    %sub3A = arith.constant 1 : i32
    %sub3A_18 = arith.subi %div3A, %sub3A : i32
    %select_n3A = arith.select %and3A, %sub3A_18, %div3A : i32
    %mul3A_19 = arith.constant 2097152 : i32
    %mul3A_20 = arith.muli %select_n3A, %mul3A_19 : i32
    %jit3A_21 = arith.constant 4 : i32
    %eq3A = arith.constant 0 : i32
    %eq3A_22 = arith.cmpi eq, %jit3A_21, %eq3A : i32
    %jit3A_23 = arith.constant 1 : i32
    %select_n3A_24 = arith.select %eq3A_22, %jit3A_23, %jit3A_21 : i32
    %rem3A_25 = arith.remsi %add3A, %select_n3A_24 : i32
    %ne3A_26 = arith.constant 0 : i32
    %ne3A_27 = arith.cmpi ne, %rem3A_25, %ne3A_26 : i32
    %lt3A = arith.constant 0 : i32
    %lt3A_28 = arith.cmpi slt, %rem3A_25, %lt3A : i32
    %lt3A_29 = arith.constant 0 : i32
    %lt3A_30 = arith.cmpi slt, %select_n3A_24, %lt3A_29 : i32
    %ne3A_31 = arith.xori %lt3A_28, %lt3A_30 : i1
    %and3A_32 = arith.andi %ne3A_31, %ne3A_27 : i1
    %add3A_33 = arith.addi %rem3A_25, %select_n3A_24 : i32
    %select_n3A_34 = arith.select %and3A_32, %add3A_33, %rem3A_25 : i32
    %mul3A_35 = arith.constant 262144 : i32
    %mul3A_36 = arith.muli %select_n3A_34, %mul3A_35 : i32
    %add3A_37 = arith.addi %mul3A_20, %mul3A_36 : i32
    %add3A_38 = arith.constant 0 : i32
    %add3A_39 = arith.addi %add3A_37, %add3A_38 : i32
    %dma_start3A = tpu.memref_slice %arg2[%add3A_39] : memref<16777216xf32, #tpu.memory_space<hbm>> -> memref<32768xf32, #tpu.memory_space<hbm>>
    %dma_start3A_40 = tpu.memref_slice %arg2[%add3A_39] : memref<16777216xf32, #tpu.memory_space<hbm>> -> memref<32768xf32, #tpu.memory_space<hbm>>
    tpu.enqueue_dma source(%dma_start3A_40 : memref<32768xf32, #tpu.memory_space<hbm>>) target(%arg4 : memref<32768xf32, #tpu.memory_space<vmem>>) target_semaphore(%arg7 : memref<!tpu.dma_semaphore, #tpu.memory_space<semaphore_mem>>)
    %add3A_41 = arith.constant 32768 : i32
    %add3A_42 = arith.addi %add3A_37, %add3A_41 : i32
    %dma_start3A_43 = tpu.memref_slice %arg2[%add3A_42] : memref<16777216xf32, #tpu.memory_space<hbm>> -> memref<32768xf32, #tpu.memory_space<hbm>>
    %dma_start3A_44 = tpu.memref_slice %arg2[%add3A_42] : memref<16777216xf32, #tpu.memory_space<hbm>> -> memref<32768xf32, #tpu.memory_space<hbm>>
    tpu.enqueue_dma source(%dma_start3A_44 : memref<32768xf32, #tpu.memory_space<hbm>>) target(%arg5 : memref<32768xf32, #tpu.memory_space<vmem>>) target_semaphore(%arg8 : memref<!tpu.dma_semaphore, #tpu.memory_space<semaphore_mem>>)
    %add3A_45 = arith.constant 65536 : i32
    %add3A_46 = arith.addi %add3A_37, %add3A_45 : i32
    %dma_start3A_47 = tpu.memref_slice %arg2[%add3A_46] : memref<16777216xf32, #tpu.memory_space<hbm>> -> memref<32768xf32, #tpu.memory_space<hbm>>
    %dma_start3A_48 = tpu.memref_slice %arg2[%add3A_46] : memref<16777216xf32, #tpu.memory_space<hbm>> -> memref<32768xf32, #tpu.memory_space<hbm>>
    tpu.enqueue_dma source(%dma_start3A_48 : memref<32768xf32, #tpu.memory_space<hbm>>) target(%arg6 : memref<32768xf32, #tpu.memory_space<vmem>>) target_semaphore(%arg9 : memref<!tpu.dma_semaphore, #tpu.memory_space<semaphore_mem>>)
    %dma_wait3A = tpu.memref_slice %arg2[%add3A_39] : memref<16777216xf32, #tpu.memory_space<hbm>> -> memref<32768xf32, #tpu.memory_space<hbm>>
    %dma_wait3A_49 = tpu.memref_slice %arg2[%add3A_39] : memref<16777216xf32, #tpu.memory_space<hbm>> -> memref<32768xf32, #tpu.memory_space<hbm>>
    tpu.wait_dma2 semaphore(%arg7 : memref<!tpu.dma_semaphore, #tpu.memory_space<semaphore_mem>>) src(%dma_wait3A_49 : memref<32768xf32, #tpu.memory_space<hbm>>) dst(%arg4 : memref<32768xf32, #tpu.memory_space<vmem>>)
    %add3A_50 = arith.constant 0 : i32
    %add3A_51 = arith.addi %mul3A_2, %add3A_50 : i32
    %dma_start3A_52 = tpu.memref_slice %arg3[%add3A_51] : memref<8388608xf32, #tpu.memory_space<hbm>> -> memref<32768xf32, #tpu.memory_space<hbm>>
    %dma_start3A_53 = tpu.memref_slice %arg3[%add3A_51] : memref<8388608xf32, #tpu.memory_space<hbm>> -> memref<32768xf32, #tpu.memory_space<hbm>>
    tpu.enqueue_dma source(%arg4 : memref<32768xf32, #tpu.memory_space<vmem>>) target(%dma_start3A_53 : memref<32768xf32, #tpu.memory_space<hbm>>) target_semaphore(%arg10 : memref<!tpu.dma_semaphore, #tpu.memory_space<semaphore_mem>>)
    %dma_wait3A_54 = tpu.memref_slice %arg3[%add3A_51] : memref<8388608xf32, #tpu.memory_space<hbm>> -> memref<32768xf32, #tpu.memory_space<hbm>>
    %dma_wait3A_55 = tpu.memref_slice %arg3[%add3A_51] : memref<8388608xf32, #tpu.memory_space<hbm>> -> memref<32768xf32, #tpu.memory_space<hbm>>
    tpu.wait_dma2 semaphore(%arg10 : memref<!tpu.dma_semaphore, #tpu.memory_space<semaphore_mem>>) src(%arg4 : memref<32768xf32, #tpu.memory_space<vmem>>) dst(%dma_wait3A_55 : memref<32768xf32, #tpu.memory_space<hbm>>)
    %add3A_56 = arith.constant 98304 : i32
    %add3A_57 = arith.addi %add3A_37, %add3A_56 : i32
    %dma_start3A_58 = tpu.memref_slice %arg2[%add3A_57] : memref<16777216xf32, #tpu.memory_space<hbm>> -> memref<32768xf32, #tpu.memory_space<hbm>>
    %dma_start3A_59 = tpu.memref_slice %arg2[%add3A_57] : memref<16777216xf32, #tpu.memory_space<hbm>> -> memref<32768xf32, #tpu.memory_space<hbm>>
    tpu.enqueue_dma source(%dma_start3A_59 : memref<32768xf32, #tpu.memory_space<hbm>>) target(%arg4 : memref<32768xf32, #tpu.memory_space<vmem>>) target_semaphore(%arg7 : memref<!tpu.dma_semaphore, #tpu.memory_space<semaphore_mem>>)
    %dma_wait3A_60 = tpu.memref_slice %arg2[%add3A_42] : memref<16777216xf32, #tpu.memory_space<hbm>> -> memref<32768xf32, #tpu.memory_space<hbm>>
    %dma_wait3A_61 = tpu.memref_slice %arg2[%add3A_42] : memref<16777216xf32, #tpu.memory_space<hbm>> -> memref<32768xf32, #tpu.memory_space<hbm>>
    tpu.wait_dma2 semaphore(%arg8 : memref<!tpu.dma_semaphore, #tpu.memory_space<semaphore_mem>>) src(%dma_wait3A_61 : memref<32768xf32, #tpu.memory_space<hbm>>) dst(%arg5 : memref<32768xf32, #tpu.memory_space<vmem>>)
    %add3A_62 = arith.constant 32768 : i32
    %add3A_63 = arith.addi %mul3A_2, %add3A_62 : i32
    %dma_start3A_64 = tpu.memref_slice %arg3[%add3A_63] : memref<8388608xf32, #tpu.memory_space<hbm>> -> memref<32768xf32, #tpu.memory_space<hbm>>
    %dma_start3A_65 = tpu.memref_slice %arg3[%add3A_63] : memref<8388608xf32, #tpu.memory_space<hbm>> -> memref<32768xf32, #tpu.memory_space<hbm>>
    tpu.enqueue_dma source(%arg5 : memref<32768xf32, #tpu.memory_space<vmem>>) target(%dma_start3A_65 : memref<32768xf32, #tpu.memory_space<hbm>>) target_semaphore(%arg11 : memref<!tpu.dma_semaphore, #tpu.memory_space<semaphore_mem>>)
    %dma_wait3A_66 = tpu.memref_slice %arg3[%add3A_63] : memref<8388608xf32, #tpu.memory_space<hbm>> -> memref<32768xf32, #tpu.memory_space<hbm>>
    %dma_wait3A_67 = tpu.memref_slice %arg3[%add3A_63] : memref<8388608xf32, #tpu.memory_space<hbm>> -> memref<32768xf32, #tpu.memory_space<hbm>>
    tpu.wait_dma2 semaphore(%arg11 : memref<!tpu.dma_semaphore, #tpu.memory_space<semaphore_mem>>) src(%arg5 : memref<32768xf32, #tpu.memory_space<vmem>>) dst(%dma_wait3A_67 : memref<32768xf32, #tpu.memory_space<hbm>>)
    %add3A_68 = arith.constant 131072 : i32
    %add3A_69 = arith.addi %add3A_37, %add3A_68 : i32
    %dma_start3A_70 = tpu.memref_slice %arg2[%add3A_69] : memref<16777216xf32, #tpu.memory_space<hbm>> -> memref<32768xf32, #tpu.memory_space<hbm>>
    %dma_start3A_71 = tpu.memref_slice %arg2[%add3A_69] : memref<16777216xf32, #tpu.memory_space<hbm>> -> memref<32768xf32, #tpu.memory_space<hbm>>
    tpu.enqueue_dma source(%dma_start3A_71 : memref<32768xf32, #tpu.memory_space<hbm>>) target(%arg5 : memref<32768xf32, #tpu.memory_space<vmem>>) target_semaphore(%arg8 : memref<!tpu.dma_semaphore, #tpu.memory_space<semaphore_mem>>)
    %dma_wait3A_72 = tpu.memref_slice %arg2[%add3A_46] : memref<16777216xf32, #tpu.memory_space<hbm>> -> memref<32768xf32, #tpu.memory_space<hbm>>
    %dma_wait3A_73 = tpu.memref_slice %arg2[%add3A_46] : memref<16777216xf32, #tpu.memory_space<hbm>> -> memref<32768xf32, #tpu.memory_space<hbm>>
    tpu.wait_dma2 semaphore(%arg9 : memref<!tpu.dma_semaphore, #tpu.memory_space<semaphore_mem>>) src(%dma_wait3A_73 : memref<32768xf32, #tpu.memory_space<hbm>>) dst(%arg6 : memref<32768xf32, #tpu.memory_space<vmem>>)
    %add3A_74 = arith.constant 65536 : i32
    %add3A_75 = arith.addi %mul3A_2, %add3A_74 : i32
    %dma_start3A_76 = tpu.memref_slice %arg3[%add3A_75] : memref<8388608xf32, #tpu.memory_space<hbm>> -> memref<32768xf32, #tpu.memory_space<hbm>>
    %dma_start3A_77 = tpu.memref_slice %arg3[%add3A_75] : memref<8388608xf32, #tpu.memory_space<hbm>> -> memref<32768xf32, #tpu.memory_space<hbm>>
    tpu.enqueue_dma source(%arg6 : memref<32768xf32, #tpu.memory_space<vmem>>) target(%dma_start3A_77 : memref<32768xf32, #tpu.memory_space<hbm>>) target_semaphore(%arg12 : memref<!tpu.dma_semaphore, #tpu.memory_space<semaphore_mem>>)
    %dma_wait3A_78 = tpu.memref_slice %arg3[%add3A_75] : memref<8388608xf32, #tpu.memory_space<hbm>> -> memref<32768xf32, #tpu.memory_space<hbm>>
    %dma_wait3A_79 = tpu.memref_slice %arg3[%add3A_75] : memref<8388608xf32, #tpu.memory_space<hbm>> -> memref<32768xf32, #tpu.memory_space<hbm>>
    tpu.wait_dma2 semaphore(%arg12 : memref<!tpu.dma_semaphore, #tpu.memory_space<semaphore_mem>>) src(%arg6 : memref<32768xf32, #tpu.memory_space<vmem>>) dst(%dma_wait3A_79 : memref<32768xf32, #tpu.memory_space<hbm>>)
    %add3A_80 = arith.constant 163840 : i32
    %add3A_81 = arith.addi %add3A_37, %add3A_80 : i32
    %dma_start3A_82 = tpu.memref_slice %arg2[%add3A_81] : memref<16777216xf32, #tpu.memory_space<hbm>> -> memref<32768xf32, #tpu.memory_space<hbm>>
    %dma_start3A_83 = tpu.memref_slice %arg2[%add3A_81] : memref<16777216xf32, #tpu.memory_space<hbm>> -> memref<32768xf32, #tpu.memory_space<hbm>>
    tpu.enqueue_dma source(%dma_start3A_83 : memref<32768xf32, #tpu.memory_space<hbm>>) target(%arg6 : memref<32768xf32, #tpu.memory_space<vmem>>) target_semaphore(%arg9 : memref<!tpu.dma_semaphore, #tpu.memory_space<semaphore_mem>>)
    %dma_wait3A_84 = tpu.memref_slice %arg2[%add3A_57] : memref<16777216xf32, #tpu.memory_space<hbm>> -> memref<32768xf32, #tpu.memory_space<hbm>>
    %dma_wait3A_85 = tpu.memref_slice %arg2[%add3A_57] : memref<16777216xf32, #tpu.memory_space<hbm>> -> memref<32768xf32, #tpu.memory_space<hbm>>
    tpu.wait_dma2 semaphore(%arg7 : memref<!tpu.dma_semaphore, #tpu.memory_space<semaphore_mem>>) src(%dma_wait3A_85 : memref<32768xf32, #tpu.memory_space<hbm>>) dst(%arg4 : memref<32768xf32, #tpu.memory_space<vmem>>)
    %add3A_86 = arith.constant 98304 : i32
    %add3A_87 = arith.addi %mul3A_2, %add3A_86 : i32
    %dma_start3A_88 = tpu.memref_slice %arg3[%add3A_87] : memref<8388608xf32, #tpu.memory_space<hbm>> -> memref<32768xf32, #tpu.memory_space<hbm>>
    %dma_start3A_89 = tpu.memref_slice %arg3[%add3A_87] : memref<8388608xf32, #tpu.memory_space<hbm>> -> memref<32768xf32, #tpu.memory_space<hbm>>
    tpu.enqueue_dma source(%arg4 : memref<32768xf32, #tpu.memory_space<vmem>>) target(%dma_start3A_89 : memref<32768xf32, #tpu.memory_space<hbm>>) target_semaphore(%arg10 : memref<!tpu.dma_semaphore, #tpu.memory_space<semaphore_mem>>)
    %dma_wait3A_90 = tpu.memref_slice %arg3[%add3A_87] : memref<8388608xf32, #tpu.memory_space<hbm>> -> memref<32768xf32, #tpu.memory_space<hbm>>
    %dma_wait3A_91 = tpu.memref_slice %arg3[%add3A_87] : memref<8388608xf32, #tpu.memory_space<hbm>> -> memref<32768xf32, #tpu.memory_space<hbm>>
    tpu.wait_dma2 semaphore(%arg10 : memref<!tpu.dma_semaphore, #tpu.memory_space<semaphore_mem>>) src(%arg4 : memref<32768xf32, #tpu.memory_space<vmem>>) dst(%dma_wait3A_91 : memref<32768xf32, #tpu.memory_space<hbm>>)
    %add3A_92 = arith.constant 196608 : i32
    %add3A_93 = arith.addi %add3A_37, %add3A_92 : i32
    %dma_start3A_94 = tpu.memref_slice %arg2[%add3A_93] : memref<16777216xf32, #tpu.memory_space<hbm>> -> memref<32768xf32, #tpu.memory_space<hbm>>
    %dma_start3A_95 = tpu.memref_slice %arg2[%add3A_93] : memref<16777216xf32, #tpu.memory_space<hbm>> -> memref<32768xf32, #tpu.memory_space<hbm>>
    tpu.enqueue_dma source(%dma_start3A_95 : memref<32768xf32, #tpu.memory_space<hbm>>) target(%arg4 : memref<32768xf32, #tpu.memory_space<vmem>>) target_semaphore(%arg7 : memref<!tpu.dma_semaphore, #tpu.memory_space<semaphore_mem>>)
    %dma_wait3A_96 = tpu.memref_slice %arg2[%add3A_69] : memref<16777216xf32, #tpu.memory_space<hbm>> -> memref<32768xf32, #tpu.memory_space<hbm>>
    %dma_wait3A_97 = tpu.memref_slice %arg2[%add3A_69] : memref<16777216xf32, #tpu.memory_space<hbm>> -> memref<32768xf32, #tpu.memory_space<hbm>>
    tpu.wait_dma2 semaphore(%arg8 : memref<!tpu.dma_semaphore, #tpu.memory_space<semaphore_mem>>) src(%dma_wait3A_97 : memref<32768xf32, #tpu.memory_space<hbm>>) dst(%arg5 : memref<32768xf32, #tpu.memory_space<vmem>>)
    %add3A_98 = arith.constant 131072 : i32
    %add3A_99 = arith.addi %mul3A_2, %add3A_98 : i32
    %dma_start3A_100 = tpu.memref_slice %arg3[%add3A_99] : memref<8388608xf32, #tpu.memory_space<hbm>> -> memref<32768xf32, #tpu.memory_space<hbm>>
    %dma_start3A_101 = tpu.memref_slice %arg3[%add3A_99] : memref<8388608xf32, #tpu.memory_space<hbm>> -> memref<32768xf32, #tpu.memory_space<hbm>>
    tpu.enqueue_dma source(%arg5 : memref<32768xf32, #tpu.memory_space<vmem>>) target(%dma_start3A_101 : memref<32768xf32, #tpu.memory_space<hbm>>) target_semaphore(%arg11 : memref<!tpu.dma_semaphore, #tpu.memory_space<semaphore_mem>>)
    %dma_wait3A_102 = tpu.memref_slice %arg3[%add3A_99] : memref<8388608xf32, #tpu.memory_space<hbm>> -> memref<32768xf32, #tpu.memory_space<hbm>>
    %dma_wait3A_103 = tpu.memref_slice %arg3[%add3A_99] : memref<8388608xf32, #tpu.memory_space<hbm>> -> memref<32768xf32, #tpu.memory_space<hbm>>
    tpu.wait_dma2 semaphore(%arg11 : memref<!tpu.dma_semaphore, #tpu.memory_space<semaphore_mem>>) src(%arg5 : memref<32768xf32, #tpu.memory_space<vmem>>) dst(%dma_wait3A_103 : memref<32768xf32, #tpu.memory_space<hbm>>)
    %add3A_104 = arith.constant 229376 : i32
    %add3A_105 = arith.addi %add3A_37, %add3A_104 : i32
    %dma_start3A_106 = tpu.memref_slice %arg2[%add3A_105] : memref<16777216xf32, #tpu.memory_space<hbm>> -> memref<32768xf32, #tpu.memory_space<hbm>>
    %dma_start3A_107 = tpu.memref_slice %arg2[%add3A_105] : memref<16777216xf32, #tpu.memory_space<hbm>> -> memref<32768xf32, #tpu.memory_space<hbm>>
    tpu.enqueue_dma source(%dma_start3A_107 : memref<32768xf32, #tpu.memory_space<hbm>>) target(%arg5 : memref<32768xf32, #tpu.memory_space<vmem>>) target_semaphore(%arg8 : memref<!tpu.dma_semaphore, #tpu.memory_space<semaphore_mem>>)
    %dma_wait3A_108 = tpu.memref_slice %arg2[%add3A_81] : memref<16777216xf32, #tpu.memory_space<hbm>> -> memref<32768xf32, #tpu.memory_space<hbm>>
    %dma_wait3A_109 = tpu.memref_slice %arg2[%add3A_81] : memref<16777216xf32, #tpu.memory_space<hbm>> -> memref<32768xf32, #tpu.memory_space<hbm>>
    tpu.wait_dma2 semaphore(%arg9 : memref<!tpu.dma_semaphore, #tpu.memory_space<semaphore_mem>>) src(%dma_wait3A_109 : memref<32768xf32, #tpu.memory_space<hbm>>) dst(%arg6 : memref<32768xf32, #tpu.memory_space<vmem>>)
    %add3A_110 = arith.constant 163840 : i32
    %add3A_111 = arith.addi %mul3A_2, %add3A_110 : i32
    %dma_start3A_112 = tpu.memref_slice %arg3[%add3A_111] : memref<8388608xf32, #tpu.memory_space<hbm>> -> memref<32768xf32, #tpu.memory_space<hbm>>
    %dma_start3A_113 = tpu.memref_slice %arg3[%add3A_111] : memref<8388608xf32, #tpu.memory_space<hbm>> -> memref<32768xf32, #tpu.memory_space<hbm>>
    tpu.enqueue_dma source(%arg6 : memref<32768xf32, #tpu.memory_space<vmem>>) target(%dma_start3A_113 : memref<32768xf32, #tpu.memory_space<hbm>>) target_semaphore(%arg12 : memref<!tpu.dma_semaphore, #tpu.memory_space<semaphore_mem>>)
    %dma_wait3A_114 = tpu.memref_slice %arg2[%add3A_93] : memref<16777216xf32, #tpu.memory_space<hbm>> -> memref<32768xf32, #tpu.memory_space<hbm>>
    %dma_wait3A_115 = tpu.memref_slice %arg2[%add3A_93] : memref<16777216xf32, #tpu.memory_space<hbm>> -> memref<32768xf32, #tpu.memory_space<hbm>>
    tpu.wait_dma2 semaphore(%arg7 : memref<!tpu.dma_semaphore, #tpu.memory_space<semaphore_mem>>) src(%dma_wait3A_115 : memref<32768xf32, #tpu.memory_space<hbm>>) dst(%arg4 : memref<32768xf32, #tpu.memory_space<vmem>>)
    %add3A_116 = arith.constant 196608 : i32
    %add3A_117 = arith.addi %mul3A_2, %add3A_116 : i32
    %dma_start3A_118 = tpu.memref_slice %arg3[%add3A_117] : memref<8388608xf32, #tpu.memory_space<hbm>> -> memref<32768xf32, #tpu.memory_space<hbm>>
    %dma_start3A_119 = tpu.memref_slice %arg3[%add3A_117] : memref<8388608xf32, #tpu.memory_space<hbm>> -> memref<32768xf32, #tpu.memory_space<hbm>>
    tpu.enqueue_dma source(%arg4 : memref<32768xf32, #tpu.memory_space<vmem>>) target(%dma_start3A_119 : memref<32768xf32, #tpu.memory_space<hbm>>) target_semaphore(%arg10 : memref<!tpu.dma_semaphore, #tpu.memory_space<semaphore_mem>>)
    %dma_wait3A_120 = tpu.memref_slice %arg2[%add3A_105] : memref<16777216xf32, #tpu.memory_space<hbm>> -> memref<32768xf32, #tpu.memory_space<hbm>>
    %dma_wait3A_121 = tpu.memref_slice %arg2[%add3A_105] : memref<16777216xf32, #tpu.memory_space<hbm>> -> memref<32768xf32, #tpu.memory_space<hbm>>
    tpu.wait_dma2 semaphore(%arg8 : memref<!tpu.dma_semaphore, #tpu.memory_space<semaphore_mem>>) src(%dma_wait3A_121 : memref<32768xf32, #tpu.memory_space<hbm>>) dst(%arg5 : memref<32768xf32, #tpu.memory_space<vmem>>)
    %add3A_122 = arith.constant 229376 : i32
    %add3A_123 = arith.addi %mul3A_2, %add3A_122 : i32
    %dma_start3A_124 = tpu.memref_slice %arg3[%add3A_123] : memref<8388608xf32, #tpu.memory_space<hbm>> -> memref<32768xf32, #tpu.memory_space<hbm>>
    %dma_start3A_125 = tpu.memref_slice %arg3[%add3A_123] : memref<8388608xf32, #tpu.memory_space<hbm>> -> memref<32768xf32, #tpu.memory_space<hbm>>
    tpu.enqueue_dma source(%arg5 : memref<32768xf32, #tpu.memory_space<vmem>>) target(%dma_start3A_125 : memref<32768xf32, #tpu.memory_space<hbm>>) target_semaphore(%arg11 : memref<!tpu.dma_semaphore, #tpu.memory_space<semaphore_mem>>)
    %dma_wait3A_126 = tpu.memref_slice %arg3[%add3A_117] : memref<8388608xf32, #tpu.memory_space<hbm>> -> memref<32768xf32, #tpu.memory_space<hbm>>
    %dma_wait3A_127 = tpu.memref_slice %arg3[%add3A_117] : memref<8388608xf32, #tpu.memory_space<hbm>> -> memref<32768xf32, #tpu.memory_space<hbm>>
    tpu.wait_dma2 semaphore(%arg10 : memref<!tpu.dma_semaphore, #tpu.memory_space<semaphore_mem>>) src(%arg4 : memref<32768xf32, #tpu.memory_space<vmem>>) dst(%dma_wait3A_127 : memref<32768xf32, #tpu.memory_space<hbm>>)
    %dma_wait3A_128 = tpu.memref_slice %arg3[%add3A_123] : memref<8388608xf32, #tpu.memory_space<hbm>> -> memref<32768xf32, #tpu.memory_space<hbm>>
    %dma_wait3A_129 = tpu.memref_slice %arg3[%add3A_123] : memref<8388608xf32, #tpu.memory_space<hbm>> -> memref<32768xf32, #tpu.memory_space<hbm>>
    tpu.wait_dma2 semaphore(%arg11 : memref<!tpu.dma_semaphore, #tpu.memory_space<semaphore_mem>>) src(%arg5 : memref<32768xf32, #tpu.memory_space<vmem>>) dst(%dma_wait3A_129 : memref<32768xf32, #tpu.memory_space<hbm>>)
    %dma_wait3A_130 = tpu.memref_slice %arg3[%add3A_111] : memref<8388608xf32, #tpu.memory_space<hbm>> -> memref<32768xf32, #tpu.memory_space<hbm>>
    %dma_wait3A_131 = tpu.memref_slice %arg3[%add3A_111] : memref<8388608xf32, #tpu.memory_space<hbm>> -> memref<32768xf32, #tpu.memory_space<hbm>>
    tpu.wait_dma2 semaphore(%arg12 : memref<!tpu.dma_semaphore, #tpu.memory_space<semaphore_mem>>) src(%arg6 : memref<32768xf32, #tpu.memory_space<vmem>>) dst(%dma_wait3A_131 : memref<32768xf32, #tpu.memory_space<hbm>>)
    return
  }
}

</mosaic_0001>

<sc_bundles>
// kernel: kernel.3.cloned.1.call-start
scs
__scs_entry_jumppad:
0x0: {  	(pc) =	sbr.rel $0x88, $3  }
0x1: {  	(tag) =	ssettag $0x0;
	lr =	simm.s32 $0x1  }
0x2: {  	[smem:$0x3FA0] =	sst lr;
	_ =	strace $0xD0000000  }
0x3: {  	_ = 	snop  }
0x4: {  	_ = 	snop  }
0x5: {  	_ = 	snop  }
0x6: {  	_ = 	snop  }
0x7: {  	_ = 	snop  }
__scs_overlays_trampoline_lowered:
0x8: {  	[smem:$0x3FAF] =	sst s0  }
0x9: {  	[smem:$0x3FB0] =	sst s1  }
0xa: {  	[smem:$0x3FB1] =	sst s2  }
0xb: {  	[smem:$0x3FB2] =	sst s3  }
0xc: {  	[smem:$0x3FB3] =	sst s4  }
0xd: {  	[smem:$0x3FB4] =	sst s5  }
0xe: {  	[smem:$0x3FB5] =	sst s6  }
0xf: {  	[smem:$0x3FB6] =	sst s7  }
0x10: {  	[smem:$0x3FB7] =	sst s8  }
0x11: {  	[smem:$0x3FB8] =	sst s9;
	s0 =	simm.s32 @!p0 $0x0  }
0x12: {  	s1 =	sld [smem:$0x3F9E];
	s0 =	simm.s32 @p0 $0x1  }
0x13: {  	[smem:$0x3FB9] =	sst s0;
	s0 =	simm.s32 @!p1 $0x0  }
0x14: {  	s2 =	sld [smem:$0x3F9D];
	s0 =	simm.s32 @p1 $0x1  }
0x15: {  	[smem:$0x3FBA] =	sst s0;
	s0 =	simm.s32 @!p2 $0x0  }
0x16: {  	s3 =	sld [smem:$0x3FDB];
	s0 =	simm.s32 @p2 $0x1  }
0x17: {  	s4 =	simm.s32 $0x1BF5;
	[smem:$0x3FBC] =	sst s0  }
0x18: {  	s0 =	sld [smem:$0x3F9F];
	_ =	swait.ge [sflag:s4], $0x0  }
0x19: {  	s7 =	sld [smem:$0x3FA0]  }
0x1a: {  	s8 =	sadd.s32 $0xFFFFE003, lr  }
0x1b: {  	s9 =	sadd.s32 $0xFFFFFEF7, lr;
	s5 =	simm.s32 $0xFFFFFFFF;
	p2 =	slt.u32 s8, $0xFFFFF086  }
0x1c: {  	p1 =	slt.u32 s9, $0xF7A;
	s5 =	simm.s32 @!p2 $0x0  }
0x1d: {  	s5 =	simm.s32 @p1 $0x1;
	p0 =	seq.s32 s7, s2  }
0x1e: {  	s7 =	smul.u32 @!p0 $0xF7A, s2;
	p2 =	seq.s32 @!p0 s5, $0x0  }
0x1f: {  	s9 =	smul.u32 $0xF7A, s1;
	s8 =	simm.s32 @!p0 $0x1BF5;
	p2 =	por !p2, p0  }
0x20: {  	[sflag:s8] =	ssyncset.s32 @!p0 $0xFFFFF086;
	s6 =	sadd.s32 @!p0 s3, s7;
	s7 =	simm.s32 @!p0 $0x108  }
0x21: {  	s3 =	sadd.s32 s3, s9;
	s6 =	sadd.s32 @!p0 $0x88, s6;
	s7 =	simm.s32 @p2 $0x1082  }
0x22: {  	[simem:s7], [sflag:s8] =	dma.local @!p0 [hbm:s6], $0xF7A  }
0x23: {  	s9 =	sor.u32 $0xD0000000, s2;
	s6 =	simm.s32 $0x108;
	_ =	swait.ge @!p0 [sflag:s8], $0x0  }
0x24: {  	s3 =	sadd.s32 $0x88, s3;
	s6 =	simm.s32 @!p1 $0x1082;
	[sflag:s4] =	ssyncset.s32 $0xFFFFF086  }
0x25: {  	[simem:s6], [sflag:s4] =	dma.local [hbm:s3], $0xF7A  }
0x26: {  	[smem:$0x3FA0] =	sst s1;
	(tag) =	ssettag s2;
	_ =	strace s9  }
0x27: {  	s1 =	sld [smem:$0x3FB0]  }
0x28: {  	s2 =	sld [smem:$0x3FB1]  }
0x29: {  	s4 =	sld [smem:$0x3FB3]  }
0x2a: {  	p0 =	seq.s32 s5, $0x0;
	s5 =	sld [smem:$0x3FB4]  }
0x2b: {  	s6 =	sld [smem:$0x3FB5]  }
0x2c: {  	s7 =	sld [smem:$0x3FB6]  }
0x2d: {  	s3 =	simm.s32 $0x108;
	s8 =	sld [smem:$0x3FB7]  }
0x2e: {  	s3 =	simm.s32 @!p0 $0x1082;
	s9 =	sld [smem:$0x3FB8]  }
0x2f: {  	lr =	sadd.s32 s0, s3;
	s0 =	sld [smem:$0x3FAF]  }
0x30: {  	s3 =	sld [smem:$0x3FB2]  }
0x31: {  	[smem:$0x3FBB] =	sst s10  }
0x32: {  	s10 =	sld [smem:$0x3FB9];
	_ =	sdelay $0x3  }
0x33: {  	p0 =	seq.s32 s10, $0x1;
	s10 =	sld [smem:$0x3FBB];
	_ =	sdelay $0x3  }
0x34: {  	[smem:$0x3FBB] =	sst s10  }
0x35: {  	s10 =	sld [smem:$0x3FBA];
	_ =	sdelay $0x3  }
0x36: {  	p1 =	seq.s32 s10, $0x1;
	s10 =	sld [smem:$0x3FBB];
	_ =	sdelay $0x3  }
0x37: {  	[smem:$0x3FBB] =	sst s10  }
0x38: {  	s10 =	sld [smem:$0x3FBC]  }
0x39: {  	_ = 	snop;
	(pc) =	sbr.ind lr, $3  }
0x3a: {  	_ = 	snop  }
0x3b: {  	_ = 	snop  }
0x3c: {  	p2 =	seq.s32 s10, $0x1;
	s10 =	sld [smem:$0x3FBB]  }
0x3d: {  	_ =	shalt  }
0x3e: {  	_ =	shalt  }
0x3f: {  	_ =	shalt  }
0x40: {  	_ =	shalt  }
0x41: {  	_ =	shalt  }
0x42: {  	_ =	shalt  }
0x43: {  	_ =	shalt  }
0x44: {  	_ =	shalt  }
0x45: {  	_ =	shalt  }
0x46: {  	_ =	shalt  }
0x47: {  	_ =	shalt  }
0x48: {  	_ =	shalt  }
0x49: {  	_ =	shalt  }
0x4a: {  	_ =	shalt  }
0x4b: {  	_ =	shalt  }
0x4c: {  	_ =	shalt  }
0x4d: {  	_ =	shalt  }
0x4e: {  	_ =	shalt  }
0x4f: {  	_ =	shalt  }
0x50: {  	_ =	shalt  }
0x51: {  	_ =	shalt  }
0x52: {  	_ =	shalt  }
0x53: {  	_ =	shalt  }
0x54: {  	_ =	shalt  }
0x55: {  	_ =	shalt  }
0x56: {  	_ =	shalt  }
0x57: {  	_ =	shalt  }
0x58: {  	_ =	shalt  }
0x59: {  	_ =	shalt  }
0x5a: {  	_ =	shalt  }
0x5b: {  	_ =	shalt  }
0x5c: {  	_ =	shalt  }
0x5d: {  	_ =	shalt  }
0x5e: {  	_ =	shalt  }
0x5f: {  	_ =	shalt  }
0x60: {  	_ =	shalt  }
0x61: {  	_ =	shalt  }
0x62: {  	_ =	shalt  }
0x63: {  	_ =	shalt  }
0x64: {  	_ =	shalt  }
0x65: {  	_ =	shalt  }
0x66: {  	_ =	shalt  }
0x67: {  	_ =	shalt  }
0x68: {  	_ =	shalt  }
0x69: {  	_ =	shalt  }
0x6a: {  	_ =	shalt  }
0x6b: {  	_ =	shalt  }
0x6c: {  	_ =	shalt  }
0x6d: {  	_ =	shalt  }
0x6e: {  	_ =	shalt  }
0x6f: {  	_ =	shalt  }
0x70: {  	_ =	shalt  }
0x71: {  	_ =	shalt  }
0x72: {  	_ =	shalt  }
0x73: {  	_ =	shalt  }
0x74: {  	_ =	shalt  }
0x75: {  	_ =	shalt  }
0x76: {  	_ =	shalt  }
0x77: {  	_ =	shalt  }
0x78: {  	_ =	shalt  }
0x79: {  	_ =	shalt  }
0x7a: {  	_ =	shalt  }
0x7b: {  	_ =	shalt  }
0x7c: {  	_ =	shalt  }
0x7d: {  	_ =	shalt  }
0x7e: {  	_ =	shalt  }
0x7f: {  	_ =	shalt  }
0x80: {  	_ =	shalt  }
0x81: {  	_ =	shalt  }
0x82: {  	_ =	shalt  }
0x83: {  	_ =	shalt  }
0x84: {  	_ =	shalt  }
0x85: {  	_ =	shalt  }
0x86: {  	_ =	shalt  }
0x87: {  	_ =	shalt  }
.Lfunc_end0:
.L_simem_size_0:
called_computation_lowered:
.L_overlay_start_0:
0x88: {  	s2 =	sld [smem:$0x3FD9]  }
0x89: {  	s3 =	sld [smem:$0x3FFE];
	_ =	sdelay $0x1  }
0x8a: {  	s1 =	srdreg.scid  }
0x8b: {  	s0 =	sand.u32 $0x1, s1  }
0x8c: {  	s18 =	sshll.u32 s0, $0xA;
	s2 =	sadd.s32 s3, s2  }
0x8d: {  	s2 =	sadd.s32 s2, s18  }
0x8e: {  	[smem:$0x3FC7] =	sst s2  }
0x8f: {  	_ = 	snop  }
0x90: {  	s2 =	sld [smem:$0x3FC9]  }
0x91: {  	s19 =	sld [smem:$0x3FD0];
	(tm) =	ssettm $0x1  }
0x92: {  	s4 =	sld [smem:$0x3FFB];
	_ =	sdelay $0x3  }
0x93: {  	_ =	strace s4  }
0x94: {  	s4 =	sld [smem:$0x3FFC];
	_ =	sdelay $0x3  }
0x95: {  	_ =	strace s4  }
0x96: {  	s4 =	sld [smem:$0x3FFD];
	_ =	sdelay $0x3  }
0x97: {  	_ =	strace s4  }
0x98: {  	_ =	strace $0x8FFFFFFF  }
0x99: {  	s20 =	sld [smem:$0x3FDB];
	_ =	sdelay $0x1  }
0x9a: {  	s5 =	simm.s32 $_scs_section_size  }
0x9b: {  	s6 =	simm.s32 $_size__tile_overlayer_lowered;
	s7 =	simm.s32 $_tile_overlayer_lowered  }
0x9c: {  	s23 =	simm.s32 $0x1BFF;
	s22 =	sshll.u32 s7, $0x1;
	s4 =	sadd.s32 s5, s20  }
0x9d: {  	s8 =	simm.s32 $0x0;
	s21 =	sshll.u32 s6, $0x1;
	s6 =	sadd.s32 s22, s4  }
0x9e: {  	[timem:s8], [sflag:s23] =	dma.local [hbm:s6], s21  }
0x9f: {  	_ =	swait.ge [sflag:s23], s21  }
0xa0: {  	s5 =	ssub.s32 $0x0, s21;
	[sflag:s23] =	ssyncset.done $0x0  }
0xa1: {  	[sflag:s23] =	ssyncadd.s32 s5;
	_ =	sdelay $0x1  }
0xa2: {  	s24 =	simm.s32 $0x1B8B  }
0xa3: {  	_ =	swait.ge [sflag:s24], $0x1  }
0xa4: {  	[sflag:s24] =	ssyncset.done $0x0  }
0xa5: {  	s25 =	simm.s32 $0x1B8E;
	[sflag:s24] =	ssyncadd.s32 $0xFFFFFFFF  }
0xa6: {  	s26 =	simm.s32 $execute0_lowered;
	[smem:$0x3FD2] =	sst s25  }
0xa7: {  	s5 =	sshll.u32 s26, $0x1;
	_ =	strace $0x80000046;
	[dreg:$0x1] =	wrdreg $0xFFFFFFFF  }
0xa8: {  	s28 =	simm.s32 $_size_execute0_lowered;
	s4 =	sadd.s32 s4, s5;
	[dreg:$0x0] =	wrdreg $0x0  }
0xa9: {  	s5 =	sshll.u32 s28, $0x1;
	[dreg:$0x2] =	wrdreg s4  }
0xaa: {  	[dreg:$0x3] =	wrdreg s5  }
0xab: {  	[dreg:$0x4] =	wrdreg $0xC0  }
0xac: {  	_ =	task [dreg:s8], $0x5FFFF  }
0xad: {  	[dreg:$0x1] =	wrdreg $0xFFFFFFFF  }
0xae: {  	[dreg:$0x0] =	wrdreg $0x60  }
0xaf: {  	[dreg:$0x2] =	wrdreg s2  }
0xb0: {  	[dreg:$0x3] =	wrdreg s19  }
0xb1: {  	[dreg:$0x4] =	wrdreg $0x9  }
0xb2: {  	_ =	task.clear_ibuf [dreg:s8], $0x5FFFF;
	_ =	strace $0x90000046  }
0xb3: {  	s29 =	simm.s32 $0x9;
	_ =	strace $0x80000048  }
0xb4: {  	_ =	swait.ge [sflag:s29], $0x1  }
0xb5: {  	[sflag:s29] =	ssyncadd.s32 $0xFFFFFFFF  }
0xb6: {  	_ =	strace $0x90000048  }
0xb7: {  	_ =	sfence  }
0xb8: {  	s30 =	sld [smem:$0x0];
	_ =	sdelay $0x2  }
0xb9: {  	s31 =	sshll.u32 s1, $0xD;
	s1 =	sshrl.u32 s1, $0x2  }
0xba: {  	s3 =	sand.u32 $0x4000, s31;
	s1 =	sadd.s32 s1, s30  }
0xbb: {  	s0 =	sor.u32 s3, s0;
	s1 =	sshll.u32 s1, $0x11  }
0xbc: {  	s0 =	sor.u32 s1, s0  }
0xbd: {  	s0 =	sadd.s32 $0x8F2B, s0  }
0xbe: {  	[sflag:s0] =	ssyncadd.remote.s32 $0x1  }
0xbf: {  	_ =	sfence.sel $0xFFFF  }
0xc0: {  	[dreg:$0x0] =	wrdreg $0xFFFFFFFF;
	(pc) =	sbr.abs _section_cstart, $3  }
0xc1: {  	[dreg:$0x1] =	wrdreg $0xFFFFFFFF  }
0xc2: {  	_ =	task.clear_ibuf [dreg:s8], $0x2FFFF;
	_ =	strace $0x9FFFFFFF  }
0xc3: {  	(tm) =	ssettm $0x7FFFFFFF  }
tec
execute0_lowered:
.L_overlay_start_1:
0x0: {  	(tag) =	ssettag $0x1  }
0x1: {  	s1 =	srdreg.scid  }
0x2: {  	s0 =	stileid.u32;
	s28 =	sand.u32 $0x1, s1  }
0x3: {  	s3 =	rddreg [dreg:$0x0];
	s2 =	sshll.u32 s0, $0x10;
	s4 =	sshll.u32 s28, $0xF  }
0x4: {  	s9 =	rddreg [dreg:$0x1];
	s5 =	sshll.u32 s0, $0x11;
	s10 =	sor.u32 s4, s2  }
0x5: {  	s30 =	sand.u32 $0x1C0000, s5;
	s2 =	simm.s32 $0x0;
	s31 =	sand.u32 $0x18000, s10  }
0x6: {  	[smem:$0x7FF] =	sst s2;
	s4 =	sor.u32 s30, s31  }
0x7: {  	s1 =	rddreg [dreg:$0x2];
	_ =	strace $0x80000047;
	s3 =	sadd.s32 s3, s4  }
0x8: {  	[tilespmem:s2], [sflag:$0x1] =	stream.linear.gather [hbm4b:s3+s2], $0x8000, $0x38;
	[tilespmem:$0x18000] =	vst v63  }
0x9: {  	s5 =	simm.s32 $0x8000;
	s4 =	sadd.s32 $0x1000, s3  }
0xa: {  	[tilespmem:s5], [sflag:$0x2] =	stream.linear.gather [hbm4b:s4+s2], $0x8000, $0x38;
	[tilespmem:$0x18000] =	vst v63  }
0xb: {  	s7 =	simm.s32 $0x10000;
	s8 =	simm.s32 $0x1;
	s6 =	sadd.s32 $0x2000, s3  }
0xc: {  	[tilespmem:s7], [sflag:$0x3] =	stream.linear.gather [hbm4b:s6+s2], $0x8000, $0x38;
	[tilespmem:$0x18000] =	vst v63  }
0xd: {  	_ =	swait.ge [sflag:s8], $0x8000  }
0xe: {  	[sflag:s8] =	ssyncset.done $0x0  }
0xf: {  	s9 =	sadd.s32 s9, s10;
	s10 =	simm.s32 $0x4;
	[sflag:s8] =	ssyncadd.s32 $0xFFFF8000  }
0x10: {  	[hbm4b:s9+s2] =	stream.linear.scatter [tilespmem:s2], [sflag:$0x4], $0x8000, $0x38;
	[tilespmem:$0x18000] =	vst v63  }
0x11: {  	_ =	swait.ge [sflag:s10], $0x8000  }
0x12: {  	[sflag:s10] =	ssyncset.done $0x0  }
0x13: {  	s12 =	simm.s32 $0x2;
	s11 =	sadd.s32 $0x3000, s3;
	[sflag:s10] =	ssyncadd.s32 $0xFFFF8000  }
0x14: {  	[tilespmem:s2], [sflag:$0x1] =	stream.linear.gather [hbm4b:s11+s2], $0x8000, $0x38;
	[tilespmem:$0x18000] =	vst v63  }
0x15: {  	_ =	swait.ge [sflag:s12], $0x8000  }
0x16: {  	[sflag:s12] =	ssyncset.done $0x0  }
0x17: {  	s14 =	simm.s32 $0x5;
	s13 =	sadd.s32 $0x1000, s9;
	[sflag:s12] =	ssyncadd.s32 $0xFFFF8000  }
0x18: {  	[hbm4b:s13+s2] =	stream.linear.scatter [tilespmem:s5], [sflag:$0x5], $0x8000, $0x38;
	[tilespmem:$0x18000] =	vst v63  }
0x19: {  	_ =	swait.ge [sflag:s14], $0x8000  }
0x1a: {  	[sflag:s14] =	ssyncset.done $0x0  }
0x1b: {  	s16 =	simm.s32 $0x3;
	s15 =	sadd.s32 $0x4000, s3;
	[sflag:s14] =	ssyncadd.s32 $0xFFFF8000  }
0x1c: {  	[tilespmem:s5], [sflag:$0x2] =	stream.linear.gather [hbm4b:s15+s2], $0x8000, $0x38;
	[tilespmem:$0x18000] =	vst v63  }
0x1d: {  	_ =	swait.ge [sflag:s16], $0x8000  }
0x1e: {  	[sflag:s16] =	ssyncset.done $0x0  }
0x1f: {  	s17 =	simm.s32 $0x6;
	s18 =	sadd.s32 $0x2000, s9;
	[sflag:s16] =	ssyncadd.s32 $0xFFFF8000  }
0x20: {  	[hbm4b:s18+s2] =	stream.linear.scatter [tilespmem:s7], [sflag:$0x6], $0x8000, $0x38;
	[tilespmem:$0x18000] =	vst v63  }
0x21: {  	_ =	swait.ge [sflag:s17], $0x8000  }
0x22: {  	[sflag:s17] =	ssyncset.done $0x0  }
0x23: {  	s19 =	sadd.s32 $0x5000, s3;
	[sflag:s17] =	ssyncadd.s32 $0xFFFF8000  }
0x24: {  	[tilespmem:s7], [sflag:$0x3] =	stream.linear.gather [hbm4b:s19+s2], $0x8000, $0x38;
	[tilespmem:$0x18000] =	vst v63  }
0x25: {  	_ =	swait.ge [sflag:s8], $0x8000  }
0x26: {  	[sflag:s8] =	ssyncset.done $0x0  }
0x27: {  	s20 =	sadd.s32 $0x3000, s9;
	[sflag:s8] =	ssyncadd.s32 $0xFFFF8000  }
0x28: {  	[hbm4b:s20+s2] =	stream.linear.scatter [tilespmem:s2], [sflag:$0x4], $0x8000, $0x38;
	[tilespmem:$0x18000] =	vst v63  }
0x29: {  	_ =	swait.ge [sflag:s10], $0x8000  }
0x2a: {  	[sflag:s10] =	ssyncset.done $0x0  }
0x2b: {  	s21 =	sadd.s32 $0x6000, s3;
	[sflag:s10] =	ssyncadd.s32 $0xFFFF8000  }
0x2c: {  	[tilespmem:s2], [sflag:$0x1] =	stream.linear.gather [hbm4b:s21+s2], $0x8000, $0x38;
	[tilespmem:$0x18000] =	vst v63  }
0x2d: {  	_ =	swait.ge [sflag:s12], $0x8000  }
0x2e: {  	[sflag:s12] =	ssyncset.done $0x0  }
0x2f: {  	s22 =	sadd.s32 $0x4000, s9;
	[sflag:s12] =	ssyncadd.s32 $0xFFFF8000  }
0x30: {  	[hbm4b:s22+s2] =	stream.linear.scatter [tilespmem:s5], [sflag:$0x5], $0x8000, $0x38;
	[tilespmem:$0x18000] =	vst v63  }
0x31: {  	_ =	swait.ge [sflag:s14], $0x8000  }
0x32: {  	[sflag:s14] =	ssyncset.done $0x0  }
0x33: {  	s23 =	sadd.s32 $0x7000, s3;
	[sflag:s14] =	ssyncadd.s32 $0xFFFF8000  }
0x34: {  	[tilespmem:s5], [sflag:$0x2] =	stream.linear.gather [hbm4b:s23+s2], $0x8000, $0x38;
	[tilespmem:$0x18000] =	vst v63  }
0x35: {  	_ =	swait.ge [sflag:s16], $0x8000  }
0x36: {  	[sflag:s16] =	ssyncset.done $0x0  }
0x37: {  	s24 =	sadd.s32 $0x5000, s9;
	[sflag:s16] =	ssyncadd.s32 $0xFFFF8000  }
0x38: {  	[hbm4b:s24+s2] =	stream.linear.scatter [tilespmem:s7], [sflag:$0x6], $0x8000, $0x38;
	[tilespmem:$0x18000] =	vst v63  }
0x39: {  	_ =	swait.ge [sflag:s8], $0x8000  }
0x3a: {  	[sflag:s8] =	ssyncset.done $0x0  }
0x3b: {  	s25 =	sadd.s32 $0x6000, s9;
	[sflag:s8] =	ssyncadd.s32 $0xFFFF8000  }
0x3c: {  	[hbm4b:s25+s2] =	stream.linear.scatter [tilespmem:s2], [sflag:$0x4], $0x8000, $0x38;
	[tilespmem:$0x18000] =	vst v63  }
0x3d: {  	_ =	swait.ge [sflag:s12], $0x8000  }
0x3e: {  	s28 =	ssub.s32 $0x2, s28;
	[sflag:s12] =	ssyncset.done $0x0  }
0x3f: {  	s29 =	sshrl.u32 s28, $0x1;
	s26 =	sadd.s32 $0x7000, s9;
	[sflag:s12] =	ssyncadd.s32 $0xFFFF8000  }
0x40: {  	[hbm4b:s26+s2] =	stream.linear.scatter [tilespmem:s5], [sflag:$0x5], $0x8000, $0x38;
	[tilespmem:$0x18000] =	vst v63  }
0x41: {  	s28 =	ssub.s32 s28, s29;
	_ =	swait.ge [sflag:s10], $0x8000  }
0x42: {  	s28 =	smax.u32 s28, $0x1;
	[sflag:s10] =	ssyncset.done $0x0  }
0x43: {  	p0 =	sne.s32 s28, $0x1;
	[sflag:s10] =	ssyncadd.s32 $0xFFFF8000  }
.Ltmp0:
0x44: {  	_ =	swait.ge [sflag:s14], $0x8000;
	(pc) =	sbr.rel @!p0 .LBB2_2-.Ltmp0, $4  }
0x45: {  	[sflag:s14] =	ssyncset.done $0x0  }
0x46: {  	[sflag:s14] =	ssyncadd.s32 $0xFFFF8000  }
0x47: {  	_ =	swait.ge [sflag:s17], $0x8000  }
0x48: {  	s28 =	sadd.s32 $0xFFFFFFFF, s28;
	[sflag:s17] =	ssyncset.done $0x0  }
.LBB2_1:
0x49: {  	p0 =	sne.s32 s28, $0x1;
	s28 =	sadd.s32 $0xFFFFFFFF, s28;
	[sflag:s17] =	ssyncadd.s32 $0xFFFF8000  }
0x4a: {  	[tilespmem:s2], [sflag:$0x1] =	stream.linear.gather [hbm4b:s3+s2], $0x8000, $0x38;
	[tilespmem:$0x18000] =	vst v63  }
0x4b: {  	_ = 	snop  }
0x4c: {  	[tilespmem:s5], [sflag:$0x2] =	stream.linear.gather [hbm4b:s4+s2], $0x8000, $0x38;
	[tilespmem:$0x18000] =	vst v63  }
0x4d: {  	_ = 	snop  }
0x4e: {  	[tilespmem:s7], [sflag:$0x3] =	stream.linear.gather [hbm4b:s6+s2], $0x8000, $0x38;
	[tilespmem:$0x18000] =	vst v63  }
0x4f: {  	_ =	swait.ge [sflag:s8], $0x8000  }
0x50: {  	[sflag:s8] =	ssyncset.done $0x0  }
0x51: {  	[sflag:s8] =	ssyncadd.s32 $0xFFFF8000  }
0x52: {  	[hbm4b:s9+s2] =	stream.linear.scatter [tilespmem:s2], [sflag:$0x4], $0x8000, $0x38;
	[tilespmem:$0x18000] =	vst v63  }
0x53: {  	_ =	swait.ge [sflag:s10], $0x8000  }
0x54: {  	[sflag:s10] =	ssyncset.done $0x0  }
0x55: {  	[sflag:s10] =	ssyncadd.s32 $0xFFFF8000  }
0x56: {  	[tilespmem:s2], [sflag:$0x1] =	stream.linear.gather [hbm4b:s11+s2], $0x8000, $0x38;
	[tilespmem:$0x18000] =	vst v63  }
0x57: {  	_ =	swait.ge [sflag:s12], $0x8000  }
0x58: {  	[sflag:s12] =	ssyncset.done $0x0  }
0x59: {  	[sflag:s12] =	ssyncadd.s32 $0xFFFF8000  }
0x5a: {  	[hbm4b:s13+s2] =	stream.linear.scatter [tilespmem:s5], [sflag:$0x5], $0x8000, $0x38;
	[tilespmem:$0x18000] =	vst v63  }
0x5b: {  	_ =	swait.ge [sflag:s14], $0x8000  }
0x5c: {  	[sflag:s14] =	ssyncset.done $0x0  }
0x5d: {  	[sflag:s14] =	ssyncadd.s32 $0xFFFF8000  }
0x5e: {  	[tilespmem:s5], [sflag:$0x2] =	stream.linear.gather [hbm4b:s15+s2], $0x8000, $0x38;
	[tilespmem:$0x18000] =	vst v63  }
0x5f: {  	_ =	swait.ge [sflag:s16], $0x8000  }
0x60: {  	[sflag:s16] =	ssyncset.done $0x0  }
0x61: {  	[sflag:s16] =	ssyncadd.s32 $0xFFFF8000  }
0x62: {  	[hbm4b:s18+s2] =	stream.linear.scatter [tilespmem:s7], [sflag:$0x6], $0x8000, $0x38;
	[tilespmem:$0x18000] =	vst v63  }
0x63: {  	_ =	swait.ge [sflag:s17], $0x8000  }
0x64: {  	[sflag:s17] =	ssyncset.done $0x0  }
0x65: {  	[sflag:s17] =	ssyncadd.s32 $0xFFFF8000  }
0x66: {  	[tilespmem:s7], [sflag:$0x3] =	stream.linear.gather [hbm4b:s19+s2], $0x8000, $0x38;
	[tilespmem:$0x18000] =	vst v63  }
0x67: {  	_ =	swait.ge [sflag:s8], $0x8000  }
0x68: {  	[sflag:s8] =	ssyncset.done $0x0  }
0x69: {  	[sflag:s8] =	ssyncadd.s32 $0xFFFF8000  }
0x6a: {  	[hbm4b:s20+s2] =	stream.linear.scatter [tilespmem:s2], [sflag:$0x4], $0x8000, $0x38;
	[tilespmem:$0x18000] =	vst v63  }
0x6b: {  	_ =	swait.ge [sflag:s10], $0x8000  }
0x6c: {  	[sflag:s10] =	ssyncset.done $0x0  }
0x6d: {  	[sflag:s10] =	ssyncadd.s32 $0xFFFF8000  }
0x6e: {  	[tilespmem:s2], [sflag:$0x1] =	stream.linear.gather [hbm4b:s21+s2], $0x8000, $0x38;
	[tilespmem:$0x18000] =	vst v63  }
0x6f: {  	_ =	swait.ge [sflag:s12], $0x8000  }
0x70: {  	[sflag:s12] =	ssyncset.done $0x0  }
0x71: {  	[sflag:s12] =	ssyncadd.s32 $0xFFFF8000  }
0x72: {  	[hbm4b:s22+s2] =	stream.linear.scatter [tilespmem:s5], [sflag:$0x5], $0x8000, $0x38;
	[tilespmem:$0x18000] =	vst v63  }
0x73: {  	_ =	swait.ge [sflag:s14], $0x8000  }
0x74: {  	[sflag:s14] =	ssyncset.done $0x0  }
0x75: {  	[sflag:s14] =	ssyncadd.s32 $0xFFFF8000  }
0x76: {  	[tilespmem:s5], [sflag:$0x2] =	stream.linear.gather [hbm4b:s23+s2], $0x8000, $0x38;
	[tilespmem:$0x18000] =	vst v63  }
0x77: {  	_ =	swait.ge [sflag:s16], $0x8000  }
0x78: {  	[sflag:s16] =	ssyncset.done $0x0  }
0x79: {  	[sflag:s16] =	ssyncadd.s32 $0xFFFF8000  }
0x7a: {  	[hbm4b:s24+s2] =	stream.linear.scatter [tilespmem:s7], [sflag:$0x6], $0x8000, $0x38;
	[tilespmem:$0x18000] =	vst v63  }
0x7b: {  	_ =	swait.ge [sflag:s8], $0x8000  }
0x7c: {  	[sflag:s8] =	ssyncset.done $0x0  }
0x7d: {  	[sflag:s8] =	ssyncadd.s32 $0xFFFF8000  }
0x7e: {  	[hbm4b:s25+s2] =	stream.linear.scatter [tilespmem:s2], [sflag:$0x4], $0x8000, $0x38;
	[tilespmem:$0x18000] =	vst v63  }
0x7f: {  	_ =	swait.ge [sflag:s12], $0x8000  }
0x80: {  	[sflag:s12] =	ssyncset.done $0x0  }
0x81: {  	[sflag:s12] =	ssyncadd.s32 $0xFFFF8000  }
0x82: {  	[hbm4b:s26+s2] =	stream.linear.scatter [tilespmem:s5], [sflag:$0x5], $0x8000, $0x38;
	[tilespmem:$0x18000] =	vst v63  }
0x83: {  	_ =	swait.ge [sflag:s10], $0x8000  }
0x84: {  	[sflag:s10] =	ssyncset.done $0x0  }
0x85: {  	[sflag:s10] =	ssyncadd.s32 $0xFFFF8000  }
.Ltmp1:
0x86: {  	_ =	swait.ge [sflag:s14], $0x8000;
	(pc) =	sbr.rel @p0 .LBB2_1-.Ltmp1, $4  }
0x87: {  	[sflag:s14] =	ssyncset.done $0x0  }
0x88: {  	[sflag:s14] =	ssyncadd.s32 $0xFFFF8000  }
0x89: {  	_ =	swait.ge [sflag:s17], $0x8000  }
0x8a: {  	[sflag:s17] =	ssyncset.done $0x0  }
.LBB2_2:
0x8b: {  	[sflag:s17] =	ssyncadd.s32 $0xFFFF8000  }
0x8c: {  	_ =	sfence.sel $0x180000  }
0x8d: {  	[bflag:$0x0] =	sbarrier.arrive $0xFFFF  }
0x8e: {  	p0 =	sne.s32 s0, $0x0;
	_ =	strace $0x90000047  }
0x8f: {  	s0 =	sadd.s32 @!p0 $0x100000, s1;
	[bflag:$0x2] =	sbarrier.arrive $0xFFFF  }
0x90: {  	[sflag:s0] =	ssyncadd.tile.s32 @!p0 $0x1;
	_ =	shalt  }
.Lfunc_end2:
_tile_overlayer_lowered:
.L_overlay_start_2:
0x91: {  	(tag) =	ssettag $0x2  }
0x92: {  	s0 =	rddreg [dreg:$0x0];
	s2 =	stileid.u32  }
0x93: {  	s1 =	rddreg [dreg:$0x1];
	p0 =	sne.s32 s2, $0x0  }
0x94: {  	s3 =	rddreg [dreg:$0x2];
	[bflag:$0x3] =	sbarrier.arrive $0xFFFF;
	s2 =	simm.s32 @!p0 $0x1C07  }
0x95: {  	[timem:s3], [sflag:s2] =	dma.local @!p0 [hbm:s0], s1  }
0x96: {  	s0 =	simm.s32 @!p0 $0x7  }
0x97: {  	_ =	swait.ge @!p0 [sflag:s0], s1  }
0x98: {  	s1 =	ssub.s32 @!p0 $0x0, s1;
	[sflag:s0] =	ssyncset.done @!p0 $0x0  }
0x99: {  	[sflag:s0] =	ssyncadd.s32 @!p0 s1  }
0x9a: {  	[bflag:$0x3] =	sbarrier.arrive $0xFFFF  }
0x9b: {  	_ =	shalt  }

</sc_bundles>
